<compile_context>
chip_gen: v7x
topology: tpu7x:2x2x1
jax: 0.10.2.dev20260603
libtpu: 0.0.44.dev20260713+nightly
codegen_flags: <defaults>
</compile_context>

<pallas_src>
import functools
import math

import jax
import jax.numpy as jnp
from jax import lax
from jax.experimental import pallas as pl
from jax.experimental.pallas import tpu as pltpu
from jax.experimental.pallas import tpu_sc as plsc

_SMOOTH = 0.1
_VOCAB = 32000
_EPS = _SMOOTH / (_VOCAB - 1)
_CONF = 1.0 - _SMOOTH
_CD = _CONF - _EPS
_C = (_VOCAB - 1) * _EPS * math.log(_EPS) + _CONF * math.log(_CONF)

_NC, _NS, _L = 2, 16, 16
_NW = _NC * _NS


def _tc_body(pred_ref, tgt_ref, s_ref):
    i = pl.program_id(0)
    m = (tgt_ref[...] > 0).astype(jnp.float32)
    rs = jnp.sum(pred_ref[...], axis=1, keepdims=True)
    part = jnp.sum(rs * m)

    @pl.when(i == 0)
    def _():
        s_ref[...] = jnp.zeros_like(s_ref)

    s_ref[...] += part.reshape(1, 1)


def _sc_body(bpw, pred_hbm, tgt_hbm, out_hbm, tgt_v, chunk_v, acc_v, sem):
    wid = lax.axis_index("s") * _NC + lax.axis_index("c")
    base = wid * bpw
    pltpu.sync_copy(tgt_hbm.at[pl.ds(base, bpw)], tgt_v.at[pl.ds(0, bpw)])
    def _fire(j, carry):
        t = tgt_v[pl.ds(j, _L)][0]
        cc = (t // _L) * _L
        pltpu.async_copy(pred_hbm.at[base + j, pl.ds(cc, _L)],
                         chunk_v.at[pl.ds(j * _L, _L)], sem)
        return carry

    lax.fori_loop(0, bpw, _fire, 0)
    pltpu.make_async_copy(pred_hbm.at[0, pl.ds(0, bpw * _L)], chunk_v, sem).wait()

    lanes = lax.iota(jnp.int32, _L)

    def _accum(j, carry):
        acc, cnt = carry
        t = tgt_v[pl.ds(j, _L)][0]
        chunk = chunk_v[pl.ds(j * _L, _L)]
        lane = jnp.where(t > 0, t % _L, jnp.int32(-1))
        sel = lanes == lane
        acc = acc + jnp.where(sel, chunk, jnp.float32(0.0))
        cnt = cnt + jnp.where(sel, jnp.float32(1.0), jnp.float32(0.0))
        return acc, cnt

    acc, cnt = lax.fori_loop(
        0, bpw, _accum,
        (jnp.zeros((_L,), jnp.float32), jnp.zeros((_L,), jnp.float32)))
    acc_v[pl.ds(0, _L)] = acc
    acc_v[pl.ds(_L, _L)] = cnt
    pltpu.sync_copy(acc_v, out_hbm.at[wid])


def kernel(prediction, target):
    rows = prediction.shape[0] * prediction.shape[1]
    vocab = prediction.shape[-1]
    pred = prediction.reshape(rows, vocab)
    tgt = target.reshape(rows, 1).astype(jnp.int32)
    tgt_flat = target.reshape(rows).astype(jnp.int32)
    bpw = rows // _NW

    mesh = plsc.VectorSubcoreMesh(core_axis_name="c", subcore_axis_name="s")
    sc_gather = functools.partial(
        pl.kernel,
        mesh=mesh,
        out_type=jax.ShapeDtypeStruct((_NW, 2 * _L), jnp.float32),
        scratch_types=[
            pltpu.VMEM((bpw + _L,), jnp.int32),
            pltpu.VMEM((bpw * _L,), jnp.float32),
            pltpu.VMEM((2 * _L,), jnp.float32),
            pltpu.SemaphoreType.DMA,
        ],
    )(functools.partial(_sc_body, bpw))
    g_parts = sc_gather(pred, tgt_flat)

    col_block = 1280
    grid = (vocab // col_block,)
    s = pl.pallas_call(
        _tc_body,
        grid=grid,
        in_specs=[
            pl.BlockSpec((rows, col_block), lambda i: (0, i)),
            pl.BlockSpec((rows, 1), lambda i: (0, 0)),
        ],
        out_specs=pl.BlockSpec((1, 1), lambda i: (0, 0)),
        out_shape=jax.ShapeDtypeStruct((1, 1), jnp.float32),
    )(pred, tgt)

    s2 = jnp.sum(g_parts[:, :_L])
    nval = jnp.sum(g_parts[:, _L:])
    total = _EPS * s[0, 0] + _CD * s2
    return jnp.float32(_C) - total / nval

# --- scband reference (transcript-rebuilt; emitter-appended) ---
"""Pipeline reference for scband-loss-with-ls-35493609734367 (READ-ONLY COPY).

The authoritative reference and input builder live on the scoring server;
editing this copy changes nothing except your own understanding.
"""

import jax, jax.numpy as jnp
import numpy as np

SIZE = 32000
SMOOTH = 0.1
CONFIDENCE = 1.0 - SMOOTH


def setup_inputs(seed: int = 0) -> dict:
    key = jax.random.key(seed)
    k1, k2 = jax.random.split(key)
    prediction = jax.random.normal(k1, (1, 2048, SIZE), dtype=jnp.float32)
    target = jax.random.randint(k2, (1, 2048), 0, SIZE, dtype=jnp.int64 if jax.config.jax_enable_x64 else jnp.int32)
    return {"prediction": prediction, "target": target}


def reference(prediction, target):
    vocab = prediction.shape[-1]
    pred = prediction.reshape(-1, vocab)
    tgt = target.reshape(-1)
    mask = (tgt > 0).astype(jnp.float32)
    # labels: filled with smooth/(size-1), scatter confidence at target index
    labels = jnp.full(pred.shape, SMOOTH / (SIZE - 1), dtype=pred.dtype)
    rows = jnp.arange(pred.shape[0])
    labels = labels.at[rows, tgt].set(CONFIDENCE)
    # KLDivLoss(reduction='none'): labels * (log(labels) - pred)
    loss = labels * (jnp.log(labels) - pred)
    loss = (loss.sum(axis=1) * mask).sum() / mask.sum()
    return loss

if __name__ == "__main__":
    import jax
    _d = setup_inputs()
    print(jax.jit(kernel)(*tuple(_d.values())))

</pallas_src>

<mosaic_0001>
#map = affine_map<(d0, d1) -> (0, 0)>
#map1 = affine_map<(d0, d1) -> (0)>
module attributes {stable_mosaic.version = 14 : i64} {
  func.func @_sc_body(%arg0: i32, %arg1: i32, %arg2: memref<2048x32000xf32, #tpu.memory_space<hbm>>, %arg3: memref<2048xi32, #tpu.memory_space<hbm>>, %arg4: memref<32x32xf32, #tpu.memory_space<hbm>>, %arg5: memref<80xi32, #tpu.memory_space<vmem>>, %arg6: memref<1024xf32, #tpu.memory_space<vmem>>, %arg7: memref<32xf32, #tpu.memory_space<vmem>>, %arg8: memref<!tpu.dma_semaphore, #tpu.memory_space<semaphore_mem>>) attributes {dimension_semantics = [#tpu.dimension_semantics<core_parallel>, #tpu.dimension_semantics<subcore_parallel>], iteration_bounds = array<i64: 2, 16>, scalar_prefetch = 0 : i64, scratch_operands = 4 : i64, tpu.core_type = #tpu.core_type<sc_vector_subcore>, window_params = [{transform_indices = #map}, {transform_indices = #map1}, {transform_indices = #map}]} {
    %mul3A = arith.constant 2 : i32
    %mul3A_0 = arith.muli %arg1, %mul3A : i32
    %add3A = arith.addi %mul3A_0, %arg0 : i32
    %mul3A_1 = arith.constant 64 : i32
    %mul3A_2 = arith.muli %add3A, %mul3A_1 : i32
    "tpu.region"() ({
      %run_scoped3A = tpu.sem_alloc : memref<!tpu.dma_semaphore, #tpu.memory_space<semaphore_mem>>
      %dma_start3A = arith.constant 0 : i32
      %dma_start3A_30 = tpu.memref_slice %arg5[%dma_start3A] : memref<80xi32, #tpu.memory_space<vmem>> -> memref<64xi32, #tpu.memory_space<vmem>>
      %dma_start3A_31 = tpu.memref_slice %arg3[%mul3A_2] : memref<2048xi32, #tpu.memory_space<hbm>> -> memref<64xi32, #tpu.memory_space<hbm>>
      %dma_start3A_32 = arith.constant 0 : i32
      %dma_start3A_33 = tpu.memref_slice %arg5[%dma_start3A_32] : memref<80xi32, #tpu.memory_space<vmem>> -> memref<64xi32, #tpu.memory_space<vmem>>
      %dma_start3A_34 = tpu.memref_slice %arg3[%mul3A_2] : memref<2048xi32, #tpu.memory_space<hbm>> -> memref<64xi32, #tpu.memory_space<hbm>>
      tpu.enqueue_dma source(%dma_start3A_34 : memref<64xi32, #tpu.memory_space<hbm>>) target(%dma_start3A_33 : memref<64xi32, #tpu.memory_space<vmem>>) target_semaphore(%run_scoped3A : memref<!tpu.dma_semaphore, #tpu.memory_space<semaphore_mem>>)
      %dma_wait3A_35 = arith.constant 0 : i32
      %dma_wait3A_36 = tpu.memref_slice %arg5[%dma_wait3A_35] : memref<80xi32, #tpu.memory_space<vmem>> -> memref<64xi32, #tpu.memory_space<vmem>>
      %dma_wait3A_37 = tpu.memref_slice %arg3[%mul3A_2] : memref<2048xi32, #tpu.memory_space<hbm>> -> memref<64xi32, #tpu.memory_space<hbm>>
      %dma_wait3A_38 = arith.constant 0 : i32
      %dma_wait3A_39 = tpu.memref_slice %arg5[%dma_wait3A_38] : memref<80xi32, #tpu.memory_space<vmem>> -> memref<64xi32, #tpu.memory_space<vmem>>
      %dma_wait3A_40 = tpu.memref_slice %arg3[%mul3A_2] : memref<2048xi32, #tpu.memory_space<hbm>> -> memref<64xi32, #tpu.memory_space<hbm>>
      tpu.wait_dma2 semaphore(%run_scoped3A : memref<!tpu.dma_semaphore, #tpu.memory_space<semaphore_mem>>) src(%dma_wait3A_40 : memref<64xi32, #tpu.memory_space<hbm>>) dst(%dma_wait3A_39 : memref<64xi32, #tpu.memory_space<vmem>>)
      tpu.yield
    }) : () -> ()
    %scan3A = arith.constant 0 : i32
    %scan3A_3 = arith.constant 0 : i32
    %scan3A_4 = arith.constant 64 : i32
    %scan3A_5 = arith.addi %scan3A_3, %scan3A_4 : i32
    %scan3A_6 = arith.constant 1 : i32
    scf.for %scan3A_30 = %scan3A_3 to %scan3A_5 step %scan3A_6  : i32 {
      %get3A = arith.index_cast %scan3A_30 : i32 to index
      %get3A_31 = tpu.vector_load %arg5[%get3A] {strides = array<i32>} : memref<80xi32, #tpu.memory_space<vmem>>, vector<16xi32>,
      %get3A_32 = vector.shape_cast %get3A_31 : vector<16xi32> to vector<16xi32>
      %slice3A = vector.extract_strided_slice %get3A_32 {offsets = [0], sizes = [1], strides = [1]} : vector<16xi32> to vector<1xi32>
      %squeeze3A = vector.extract %slice3A[0] : i32 from vector<1xi32>
      %jit3A = arith.constant 16 : i32
      %div3A = arith.divsi %squeeze3A, %jit3A : i32
      %sign3A = arith.constant 0 : i32
      %sign3A_33 = arith.cmpi sgt, %squeeze3A, %sign3A : i32
      %sign3A_34 = arith.extui %sign3A_33 : i1 to i32
      %sign3A_35 = arith.constant 0 : i32
      %sign3A_36 = arith.cmpi slt, %squeeze3A, %sign3A_35 : i32
      %sign3A_37 = arith.extui %sign3A_36 : i1 to i32
      %sign3A_38 = arith.subi %sign3A_34, %sign3A_37 : i32
      %sign3A_39 = arith.constant 0 : i32
      %sign3A_40 = arith.cmpi sgt, %jit3A, %sign3A_39 : i32
      %sign3A_41 = arith.extui %sign3A_40 : i1 to i32
      %sign3A_42 = arith.constant 0 : i32
      %sign3A_43 = arith.cmpi slt, %jit3A, %sign3A_42 : i32
      %sign3A_44 = arith.extui %sign3A_43 : i1 to i32
      %sign3A_45 = arith.subi %sign3A_41, %sign3A_44 : i32
      %ne3A = arith.cmpi ne, %sign3A_38, %sign3A_45 : i32
      %rem3A = arith.remsi %squeeze3A, %jit3A : i32
      %ne3A_46 = arith.constant 0 : i32
      %ne3A_47 = arith.cmpi ne, %rem3A, %ne3A_46 : i32
      %and3A = arith.andi %ne3A, %ne3A_47 : i1
      %sub3A = arith.constant 1 : i32
      %sub3A_48 = arith.subi %div3A, %sub3A : i32
      %select_n3A = arith.select %and3A, %sub3A_48, %div3A : i32
      %mul3A_49 = arith.constant 16 : i32
      %mul3A_50 = arith.muli %select_n3A, %mul3A_49 : i32
      %add3A_51 = arith.addi %mul3A_2, %scan3A_30 : i32
      %mul3A_52 = arith.constant 16 : i32
      %mul3A_53 = arith.muli %scan3A_30, %mul3A_52 : i32
      %dma_start3A = tpu.memref_slice %arg6[%mul3A_53] : memref<1024xf32, #tpu.memory_space<vmem>> -> memref<16xf32, #tpu.memory_space<vmem>>
      %dma_start3A_54 = tpu.memref_slice %arg2[%add3A_51, %mul3A_50] : memref<2048x32000xf32, #tpu.memory_space<hbm>> -> memref<1x16xf32, #tpu.memory_space<hbm>>
      %dma_start3A_55 = tpu.memref_squeeze %dma_start3A_54 : memref<1x16xf32, #tpu.memory_space<hbm>> -> memref<16xf32, #tpu.memory_space<hbm>>
      %dma_start3A_56 = tpu.memref_slice %arg6[%mul3A_53] : memref<1024xf32, #tpu.memory_space<vmem>> -> memref<16xf32, #tpu.memory_space<vmem>>
      %dma_start3A_57 = tpu.memref_slice %arg2[%add3A_51, %mul3A_50] : memref<2048x32000xf32, #tpu.memory_space<hbm>> -> memref<1x16xf32, #tpu.memory_space<hbm>>
      %dma_start3A_58 = tpu.memref_squeeze %dma_start3A_57 : memref<1x16xf32, #tpu.memory_space<hbm>> -> memref<16xf32, #tpu.memory_space<hbm>>
      tpu.enqueue_dma source(%dma_start3A_58 : memref<16xf32, #tpu.memory_space<hbm>>) target(%dma_start3A_56 : memref<16xf32, #tpu.memory_space<vmem>>) target_semaphore(%arg8 : memref<!tpu.dma_semaphore, #tpu.memory_space<semaphore_mem>>)
    }
    %scan3A_7 = arith.constant 64 : i32
    %dma_wait3A = arith.constant 0 : i32
    %dma_wait3A_8 = arith.constant 0 : i32
    %dma_wait3A_9 = tpu.memref_slice %arg2[%dma_wait3A, %dma_wait3A_8] : memref<2048x32000xf32, #tpu.memory_space<hbm>> -> memref<1x1024xf32, #tpu.memory_space<hbm>>
    %dma_wait3A_10 = tpu.memref_squeeze %dma_wait3A_9 : memref<1x1024xf32, #tpu.memory_space<hbm>> -> memref<1024xf32, #tpu.memory_space<hbm>>
    %dma_wait3A_11 = arith.constant 0 : i32
    %dma_wait3A_12 = tpu.memref_slice %arg2[%dma_wait3A, %dma_wait3A_11] : memref<2048x32000xf32, #tpu.memory_space<hbm>> -> memref<1x1024xf32, #tpu.memory_space<hbm>>
    %dma_wait3A_13 = tpu.memref_squeeze %dma_wait3A_12 : memref<1x1024xf32, #tpu.memory_space<hbm>> -> memref<1024xf32, #tpu.memory_space<hbm>>
    tpu.wait_dma2 semaphore(%arg8 : memref<!tpu.dma_semaphore, #tpu.memory_space<semaphore_mem>>) src(%dma_wait3A_13 : memref<1024xf32, #tpu.memory_space<hbm>>) dst(%arg6 : memref<1024xf32, #tpu.memory_space<vmem>>)
    %iota3A = tpu.iota {dimensions = array<i32: 0>} : vector<16xi32>
    %broadcast_in_dim3A = arith.constant 0.000000e+00 : f32
    %broadcast_in_dim3A_14 = vector.broadcast %broadcast_in_dim3A : f32 to vector<16xf32>
    %broadcast_in_dim3A_15 = arith.constant 0.000000e+00 : f32
    %broadcast_in_dim3A_16 = vector.broadcast %broadcast_in_dim3A_15 : f32 to vector<16xf32>
    %scan3A_17 = arith.constant 0 : i32
    %scan3A_18 = arith.constant 64 : i32
    %scan3A_19 = arith.addi %scan3A_17, %scan3A_18 : i32
    %scan3A_20 = arith.constant 1 : i32
    %scan3A_21:2 = scf.for %scan3A_30 = %scan3A_17 to %scan3A_19 step %scan3A_20 iter_args(%scan3A_31 = %broadcast_in_dim3A_14, %scan3A_32 = %broadcast_in_dim3A_16) -> (vector<16xf32>, vector<16xf32>)  : i32 {
      %get3A = arith.index_cast %scan3A_30 : i32 to index
      %get3A_33 = tpu.vector_load %arg5[%get3A] {strides = array<i32>} : memref<80xi32, #tpu.memory_space<vmem>>, vector<16xi32>,
      %get3A_34 = vector.shape_cast %get3A_33 : vector<16xi32> to vector<16xi32>
      %slice3A = vector.extract_strided_slice %get3A_34 {offsets = [0], sizes = [1], strides = [1]} : vector<16xi32> to vector<1xi32>
      %squeeze3A = vector.extract %slice3A[0] : i32 from vector<1xi32>
      %mul3A_35 = arith.constant 16 : i32
      %mul3A_36 = arith.muli %scan3A_30, %mul3A_35 : i32
      %get3A_37 = arith.index_cast %mul3A_36 : i32 to index
      %get3A_38 = tpu.vector_load %arg6[%get3A_37] {strides = array<i32>} : memref<1024xf32, #tpu.memory_space<vmem>>, vector<16xf32>,
      %get3A_39 = vector.shape_cast %get3A_38 : vector<16xf32> to vector<16xf32>
      %gt3A = arith.constant 0 : i32
      %gt3A_40 = arith.cmpi sgt, %squeeze3A, %gt3A : i32
      %jit3A = arith.constant 16 : i32
      %eq3A = arith.constant 0 : i32
      %eq3A_41 = arith.cmpi eq, %jit3A, %eq3A : i32
      %jit3A_42 = arith.constant 1 : i32
      %select_n3A = arith.select %eq3A_41, %jit3A_42, %jit3A : i32
      %rem3A = arith.remsi %squeeze3A, %select_n3A : i32
      %ne3A = arith.constant 0 : i32
      %ne3A_43 = arith.cmpi ne, %rem3A, %ne3A : i32
      %lt3A = arith.constant 0 : i32
      %lt3A_44 = arith.cmpi slt, %rem3A, %lt3A : i32
      %lt3A_45 = arith.constant 0 : i32
      %lt3A_46 = arith.cmpi slt, %select_n3A, %lt3A_45 : i32
      %ne3A_47 = arith.xori %lt3A_44, %lt3A_46 : i1
      %and3A = arith.andi %ne3A_47, %ne3A_43 : i1
      %add3A_48 = arith.addi %rem3A, %select_n3A : i32
      %select_n3A_49 = arith.select %and3A, %add3A_48, %rem3A : i32
      %jit3A_50 = arith.constant -1 : i32
      %select_n3A_51 = arith.select %gt3A_40, %select_n3A_49, %jit3A_50 : i32
      %eq3A_52 = vector.broadcast %select_n3A_51 : i32 to vector<16xi32>
      %eq3A_53 = arith.cmpi eq, %iota3A, %eq3A_52 : vector<16xi32>
      %jit3A_54 = arith.constant 0.000000e+00 : f32
      %broadcast_in_dim3A_55 = vector.broadcast %jit3A_54 : f32 to vector<16xf32>
      %select_n3A_56 = arith.select %eq3A_53, %get3A_39, %broadcast_in_dim3A_55 : vector<16xi1>, vector<16xf32>
      %add3A_57 = arith.addf %scan3A_31, %select_n3A_56 : vector<16xf32>
      %jit3A_58 = arith.constant 1.000000e+00 : f32
      %jit3A_59 = arith.constant 0.000000e+00 : f32
      %broadcast_in_dim3A_60 = vector.broadcast %jit3A_58 : f32 to vector<16xf32>
      %broadcast_in_dim3A_61 = vector.broadcast %jit3A_59 : f32 to vector<16xf32>
      %select_n3A_62 = arith.select %eq3A_53, %broadcast_in_dim3A_60, %broadcast_in_dim3A_61 : vector<16xi1>, vector<16xf32>
      %add3A_63 = arith.addf %scan3A_32, %select_n3A_62 : vector<16xf32>
      scf.yield %add3A_57, %add3A_63 : vector<16xf32>, vector<16xf32>
    }
    %scan3A_22 = arith.constant 64 : i32
    %swap3A = arith.constant 0 : index
    %swap3A_23 = tpu.vector_load %arg7[%swap3A] {strides = array<i32>} : memref<32xf32, #tpu.memory_space<vmem>>, vector<16xf32>,
    %swap3A_24 = vector.shape_cast %swap3A_23 : vector<16xf32> to vector<16xf32>
    %swap3A_25 = vector.shape_cast %scan3A_21#0 : vector<16xf32> to vector<16xf32>
    tpu.vector_store %arg7[%swap3A], %swap3A_25 {strides = array<i32>} : memref<32xf32, #tpu.memory_space<vmem>>, vector<16xf32>,
    %swap3A_26 = arith.constant 16 : index
    %swap3A_27 = tpu.vector_load %arg7[%swap3A_26] {strides = array<i32>} : memref<32xf32, #tpu.memory_space<vmem>>, vector<16xf32>,
    %swap3A_28 = vector.shape_cast %swap3A_27 : vector<16xf32> to vector<16xf32>
    %swap3A_29 = vector.shape_cast %scan3A_21#1 : vector<16xf32> to vector<16xf32>
    tpu.vector_store %arg7[%swap3A_26], %swap3A_29 {strides = array<i32>} : memref<32xf32, #tpu.memory_space<vmem>>, vector<16xf32>,
    "tpu.region"() ({
      %run_scoped3A = tpu.sem_alloc : memref<!tpu.dma_semaphore, #tpu.memory_space<semaphore_mem>>
      %dma_start3A = arith.constant 0 : i32
      %dma_start3A_30 = tpu.memref_slice %arg4[%add3A, %dma_start3A] : memref<32x32xf32, #tpu.memory_space<hbm>> -> memref<1x32xf32, #tpu.memory_space<hbm>>
      %dma_start3A_31 = tpu.memref_squeeze %dma_start3A_30 : memref<1x32xf32, #tpu.memory_space<hbm>> -> memref<32xf32, #tpu.memory_space<hbm>>
      %dma_start3A_32 = arith.constant 0 : i32
      %dma_start3A_33 = tpu.memref_slice %arg4[%add3A, %dma_start3A_32] : memref<32x32xf32, #tpu.memory_space<hbm>> -> memref<1x32xf32, #tpu.memory_space<hbm>>
      %dma_start3A_34 = tpu.memref_squeeze %dma_start3A_33 : memref<1x32xf32, #tpu.memory_space<hbm>> -> memref<32xf32, #tpu.memory_space<hbm>>
      tpu.enqueue_dma source(%arg7 : memref<32xf32, #tpu.memory_space<vmem>>) target(%dma_start3A_34 : memref<32xf32, #tpu.memory_space<hbm>>) target_semaphore(%run_scoped3A : memref<!tpu.dma_semaphore, #tpu.memory_space<semaphore_mem>>)
      %dma_wait3A_35 = arith.constant 0 : i32
      %dma_wait3A_36 = tpu.memref_slice %arg4[%add3A, %dma_wait3A_35] : memref<32x32xf32, #tpu.memory_space<hbm>> -> memref<1x32xf32, #tpu.memory_space<hbm>>
      %dma_wait3A_37 = tpu.memref_squeeze %dma_wait3A_36 : memref<1x32xf32, #tpu.memory_space<hbm>> -> memref<32xf32, #tpu.memory_space<hbm>>
      %dma_wait3A_38 = arith.constant 0 : i32
      %dma_wait3A_39 = tpu.memref_slice %arg4[%add3A, %dma_wait3A_38] : memref<32x32xf32, #tpu.memory_space<hbm>> -> memref<1x32xf32, #tpu.memory_space<hbm>>
      %dma_wait3A_40 = tpu.memref_squeeze %dma_wait3A_39 : memref<1x32xf32, #tpu.memory_space<hbm>> -> memref<32xf32, #tpu.memory_space<hbm>>
      tpu.wait_dma2 semaphore(%run_scoped3A : memref<!tpu.dma_semaphore, #tpu.memory_space<semaphore_mem>>) src(%arg7 : memref<32xf32, #tpu.memory_space<vmem>>) dst(%dma_wait3A_40 : memref<32xf32, #tpu.memory_space<hbm>>)
      tpu.yield
    }) : () -> ()
    return
  }
}

module attributes {stable_mosaic.version = 14 : i64} {
  func.func @_tc_body(%arg0: i32, %arg1: memref<2048x1280xf32, #tpu.memory_space<vmem>>, %arg2: memref<2048x1xi32, #tpu.memory_space<vmem>>, %arg3: memref<1x1xf32, #tpu.memory_space<vmem>>) attributes {dimension_semantics = [#tpu.dimension_semantics<arbitrary>], iteration_bounds = array<i64: 25>, scalar_prefetch = 0 : i64, scratch_operands = 0 : i64, tpu.core_type = #tpu.core_type<tc>, window_params = [{transform_indices = @transform_0, window_bounds = array<i64: 2048, 1280>}, {pipeline_mode = #tpu.pipeline_mode<synchronous>, transform_indices = @transform_1, window_bounds = array<i64: 2048, 1>}, {pipeline_mode = #tpu.pipeline_mode<synchronous>, transform_indices = @transform_2, window_bounds = array<i64: 1, 1>}]} {
    %get3A = arith.constant 0 : index
    %get3A_0 = arith.constant 0 : index
    %get3A_1 = vector.load %arg2[%get3A, %get3A_0] : memref<2048x1xi32, #tpu.memory_space<vmem>>, vector<2048x1xi32>
    %gt3A = arith.constant 0 : i32
    %gt3A_2 = vector.broadcast %gt3A : i32 to vector<2048x1xi32>
    %gt3A_3 = arith.cmpi sgt, %get3A_1, %gt3A_2 : vector<2048x1xi32>
    %convert_element_type3A = arith.extui %gt3A_3 : vector<2048x1xi1> to vector<2048x1xi32>
    %convert_element_type3A_4 = arith.sitofp %convert_element_type3A : vector<2048x1xi32> to vector<2048x1xf32>
    %get3A_5 = arith.constant 0 : index
    %get3A_6 = arith.constant 0 : index
    %get3A_7 = vector.load %arg1[%get3A_5, %get3A_6] : memref<2048x1280xf32, #tpu.memory_space<vmem>>, vector<2048x1280xf32>
    %reduce_sum3A = arith.constant dense<0.000000e+00> : vector<2048xf32>
    %reduce_sum3A_8 = vector.multi_reduction <add>, %get3A_7, %reduce_sum3A [1] : vector<2048x1280xf32> to vector<2048xf32>
    %broadcast_in_dim3A = vector.shape_cast %reduce_sum3A_8 : vector<2048xf32> to vector<2048x1xf32>
    %mul3A = arith.mulf %broadcast_in_dim3A, %convert_element_type3A_4 : vector<2048x1xf32>
    %reduce_sum3A_9 = vector.shape_cast %mul3A : vector<2048x1xf32> to vector<1x2048x1xf32>
    %reduce_sum3A_10 = arith.constant dense<0.000000e+00> : vector<1xf32>
    %reduce_sum3A_11 = vector.multi_reduction <add>, %reduce_sum3A_9, %reduce_sum3A_10 [1, 2] : vector<1x2048x1xf32> to vector<1xf32>
    %reduce_sum3A_12 = vector.shape_cast %reduce_sum3A_11 : vector<1xf32> to vector<1x1x1xf32>
    %reduce_sum3A_13 = vector.extract %reduce_sum3A_12[0, 0, 0] : f32 from vector<1x1x1xf32>
    %eq3A = arith.constant 0 : i32
    %eq3A_14 = arith.cmpi eq, %arg0, %eq3A : i32
    %convert_element_type3A_15 = arith.extui %eq3A_14 : i1 to i32
    %cond3A = arith.constant 0 : i32
    %cond3A_16 = arith.cmpi ne, %convert_element_type3A_15, %cond3A : i32
    scf.if %cond3A_16 {
      %broadcast_in_dim3A_22 = arith.constant 0.000000e+00 : f32
      %broadcast_in_dim3A_23 = vector.broadcast %broadcast_in_dim3A_22 : f32 to vector<1x1xf32>
      %swap3A_24 = arith.constant 0 : index
      %swap3A_25 = arith.constant 0 : index
      %swap3A_26 = vector.load %arg3[%swap3A_24, %swap3A_25] : memref<1x1xf32, #tpu.memory_space<vmem>>, vector<1x1xf32>
      tpu.vector_store %arg3[%swap3A_24, %swap3A_25], %broadcast_in_dim3A_23 {strides = array<i32>} : memref<1x1xf32, #tpu.memory_space<vmem>>, vector<1x1xf32>,
    } else {
    }
    %get3A_17 = arith.constant 0 : index
    %get3A_18 = arith.constant 0 : index
    %get3A_19 = vector.load %arg3[%get3A_17, %get3A_18] : memref<1x1xf32, #tpu.memory_space<vmem>>, vector<1x1xf32>
    %reshape3A = vector.broadcast %reduce_sum3A_13 : f32 to vector<1x1xf32>
    %add3A = arith.addf %get3A_19, %reshape3A : vector<1x1xf32>
    %swap3A = arith.constant 0 : index
    %swap3A_20 = arith.constant 0 : index
    %swap3A_21 = vector.load %arg3[%swap3A, %swap3A_20] : memref<1x1xf32, #tpu.memory_space<vmem>>, vector<1x1xf32>
    tpu.vector_store %arg3[%swap3A, %swap3A_20], %add3A {strides = array<i32>} : memref<1x1xf32, #tpu.memory_space<vmem>>, vector<1x1xf32>,
    return
  }
  func.func @transform_0(%arg0: i32) -> (i32, i32) {
    %c0_i32 = arith.constant 0 : i32
    %c0_i32_0 = arith.constant 0 : i32
    return %c0_i32, %arg0 : i32, i32
  }
  func.func @transform_1(%arg0: i32) -> (i32, i32) {
    %c0_i32 = arith.constant 0 : i32
    %c0_i32_0 = arith.constant 0 : i32
    %c0_i32_1 = arith.constant 0 : i32
    return %c0_i32, %c0_i32_0 : i32, i32
  }
  func.func @transform_2(%arg0: i32) -> (i32, i32) {
    %c0_i32 = arith.constant 0 : i32
    %c0_i32_0 = arith.constant 0 : i32
    %c0_i32_1 = arith.constant 0 : i32
    return %c0_i32, %c0_i32_0 : i32, i32
  }
}

</mosaic_0001>

<sc_bundles>
// kernel: kernel.4.cloned.1.call-start
scs
__scs_entry_jumppad:
0x0: {  	(pc) =	sbr.rel $0x88, $3  }
0x1: {  	(tag) =	ssettag $0x0;
	lr =	simm.s32 $0x1  }
0x2: {  	[smem:$0x3F9F] =	sst lr;
	_ =	strace $0xD0000000  }
0x3: {  	_ = 	snop  }
0x4: {  	_ = 	snop  }
0x5: {  	_ = 	snop  }
0x6: {  	_ = 	snop  }
0x7: {  	_ = 	snop  }
__scs_overlays_trampoline_lowered:
0x8: {  	[smem:$0x3FAE] =	sst s0  }
0x9: {  	[smem:$0x3FAF] =	sst s1  }
0xa: {  	[smem:$0x3FB0] =	sst s2  }
0xb: {  	[smem:$0x3FB1] =	sst s3  }
0xc: {  	[smem:$0x3FB2] =	sst s4  }
0xd: {  	[smem:$0x3FB3] =	sst s5  }
0xe: {  	[smem:$0x3FB4] =	sst s6  }
0xf: {  	[smem:$0x3FB5] =	sst s7  }
0x10: {  	[smem:$0x3FB6] =	sst s8  }
0x11: {  	[smem:$0x3FB7] =	sst s9;
	s0 =	simm.s32 @!p0 $0x0  }
0x12: {  	s1 =	sld [smem:$0x3F9D];
	s0 =	simm.s32 @p0 $0x1  }
0x13: {  	[smem:$0x3FB8] =	sst s0;
	s0 =	simm.s32 @!p1 $0x0  }
0x14: {  	s2 =	sld [smem:$0x3F9C];
	s0 =	simm.s32 @p1 $0x1  }
0x15: {  	[smem:$0x3FB9] =	sst s0;
	s0 =	simm.s32 @!p2 $0x0  }
0x16: {  	s3 =	sld [smem:$0x3FDB];
	s0 =	simm.s32 @p2 $0x1  }
0x17: {  	s4 =	simm.s32 $0x1BF5;
	[smem:$0x3FBB] =	sst s0  }
0x18: {  	s0 =	sld [smem:$0x3F9E];
	_ =	swait.ge [sflag:s4], $0x0  }
0x19: {  	s7 =	sld [smem:$0x3F9F]  }
0x1a: {  	s8 =	sadd.s32 $0xFFFFE003, lr  }
0x1b: {  	s9 =	sadd.s32 $0xFFFFFEF7, lr;
	s5 =	simm.s32 $0xFFFFFFFF;
	p2 =	slt.u32 s8, $0xFFFFF086  }
0x1c: {  	p1 =	slt.u32 s9, $0xF7A;
	s5 =	simm.s32 @!p2 $0x0  }
0x1d: {  	s5 =	simm.s32 @p1 $0x1;
	p0 =	seq.s32 s7, s2  }
0x1e: {  	s7 =	smul.u32 @!p0 $0xF7A, s2;
	p2 =	seq.s32 @!p0 s5, $0x0  }
0x1f: {  	s9 =	smul.u32 $0xF7A, s1;
	s8 =	simm.s32 @!p0 $0x1BF5;
	p2 =	por !p2, p0  }
0x20: {  	[sflag:s8] =	ssyncset.s32 @!p0 $0xFFFFF086;
	s6 =	sadd.s32 @!p0 s3, s7;
	s7 =	simm.s32 @!p0 $0x108  }
0x21: {  	s3 =	sadd.s32 s3, s9;
	s6 =	sadd.s32 @!p0 $0x88, s6;
	s7 =	simm.s32 @p2 $0x1082  }
0x22: {  	[simem:s7], [sflag:s8] =	dma.local @!p0 [hbm:s6], $0xF7A  }
0x23: {  	s9 =	sor.u32 $0xD0000000, s2;
	s6 =	simm.s32 $0x108;
	_ =	swait.ge @!p0 [sflag:s8], $0x0  }
0x24: {  	s3 =	sadd.s32 $0x88, s3;
	s6 =	simm.s32 @!p1 $0x1082;
	[sflag:s4] =	ssyncset.s32 $0xFFFFF086  }
0x25: {  	[simem:s6], [sflag:s4] =	dma.local [hbm:s3], $0xF7A  }
0x26: {  	[smem:$0x3F9F] =	sst s1;
	(tag) =	ssettag s2;
	_ =	strace s9  }
0x27: {  	s1 =	sld [smem:$0x3FAF]  }
0x28: {  	s2 =	sld [smem:$0x3FB0]  }
0x29: {  	s4 =	sld [smem:$0x3FB2]  }
0x2a: {  	p0 =	seq.s32 s5, $0x0;
	s5 =	sld [smem:$0x3FB3]  }
0x2b: {  	s6 =	sld [smem:$0x3FB4]  }
0x2c: {  	s7 =	sld [smem:$0x3FB5]  }
0x2d: {  	s3 =	simm.s32 $0x108;
	s8 =	sld [smem:$0x3FB6]  }
0x2e: {  	s3 =	simm.s32 @!p0 $0x1082;
	s9 =	sld [smem:$0x3FB7]  }
0x2f: {  	lr =	sadd.s32 s0, s3;
	s0 =	sld [smem:$0x3FAE]  }
0x30: {  	s3 =	sld [smem:$0x3FB1]  }
0x31: {  	[smem:$0x3FBA] =	sst s10  }
0x32: {  	s10 =	sld [smem:$0x3FB8];
	_ =	sdelay $0x3  }
0x33: {  	p0 =	seq.s32 s10, $0x1;
	s10 =	sld [smem:$0x3FBA];
	_ =	sdelay $0x3  }
0x34: {  	[smem:$0x3FBA] =	sst s10  }
0x35: {  	s10 =	sld [smem:$0x3FB9];
	_ =	sdelay $0x3  }
0x36: {  	p1 =	seq.s32 s10, $0x1;
	s10 =	sld [smem:$0x3FBA];
	_ =	sdelay $0x3  }
0x37: {  	[smem:$0x3FBA] =	sst s10  }
0x38: {  	s10 =	sld [smem:$0x3FBB]  }
0x39: {  	_ = 	snop;
	(pc) =	sbr.ind lr, $3  }
0x3a: {  	_ = 	snop  }
0x3b: {  	_ = 	snop  }
0x3c: {  	p2 =	seq.s32 s10, $0x1;
	s10 =	sld [smem:$0x3FBA]  }
0x3d: {  	_ =	shalt  }
0x3e: {  	_ =	shalt  }
0x3f: {  	_ =	shalt  }
0x40: {  	_ =	shalt  }
0x41: {  	_ =	shalt  }
0x42: {  	_ =	shalt  }
0x43: {  	_ =	shalt  }
0x44: {  	_ =	shalt  }
0x45: {  	_ =	shalt  }
0x46: {  	_ =	shalt  }
0x47: {  	_ =	shalt  }
0x48: {  	_ =	shalt  }
0x49: {  	_ =	shalt  }
0x4a: {  	_ =	shalt  }
0x4b: {  	_ =	shalt  }
0x4c: {  	_ =	shalt  }
0x4d: {  	_ =	shalt  }
0x4e: {  	_ =	shalt  }
0x4f: {  	_ =	shalt  }
0x50: {  	_ =	shalt  }
0x51: {  	_ =	shalt  }
0x52: {  	_ =	shalt  }
0x53: {  	_ =	shalt  }
0x54: {  	_ =	shalt  }
0x55: {  	_ =	shalt  }
0x56: {  	_ =	shalt  }
0x57: {  	_ =	shalt  }
0x58: {  	_ =	shalt  }
0x59: {  	_ =	shalt  }
0x5a: {  	_ =	shalt  }
0x5b: {  	_ =	shalt  }
0x5c: {  	_ =	shalt  }
0x5d: {  	_ =	shalt  }
0x5e: {  	_ =	shalt  }
0x5f: {  	_ =	shalt  }
0x60: {  	_ =	shalt  }
0x61: {  	_ =	shalt  }
0x62: {  	_ =	shalt  }
0x63: {  	_ =	shalt  }
0x64: {  	_ =	shalt  }
0x65: {  	_ =	shalt  }
0x66: {  	_ =	shalt  }
0x67: {  	_ =	shalt  }
0x68: {  	_ =	shalt  }
0x69: {  	_ =	shalt  }
0x6a: {  	_ =	shalt  }
0x6b: {  	_ =	shalt  }
0x6c: {  	_ =	shalt  }
0x6d: {  	_ =	shalt  }
0x6e: {  	_ =	shalt  }
0x6f: {  	_ =	shalt  }
0x70: {  	_ =	shalt  }
0x71: {  	_ =	shalt  }
0x72: {  	_ =	shalt  }
0x73: {  	_ =	shalt  }
0x74: {  	_ =	shalt  }
0x75: {  	_ =	shalt  }
0x76: {  	_ =	shalt  }
0x77: {  	_ =	shalt  }
0x78: {  	_ =	shalt  }
0x79: {  	_ =	shalt  }
0x7a: {  	_ =	shalt  }
0x7b: {  	_ =	shalt  }
0x7c: {  	_ =	shalt  }
0x7d: {  	_ =	shalt  }
0x7e: {  	_ =	shalt  }
0x7f: {  	_ =	shalt  }
0x80: {  	_ =	shalt  }
0x81: {  	_ =	shalt  }
0x82: {  	_ =	shalt  }
0x83: {  	_ =	shalt  }
0x84: {  	_ =	shalt  }
0x85: {  	_ =	shalt  }
0x86: {  	_ =	shalt  }
0x87: {  	_ =	shalt  }
.Lfunc_end0:
.L_simem_size_0:
called_computation_lowered:
.L_overlay_start_0:
0x88: {  	s2 =	sld [smem:$0x3FD9]  }
0x89: {  	s3 =	sld [smem:$0x3FFE];
	_ =	sdelay $0x1  }
0x8a: {  	s1 =	srdreg.scid  }
0x8b: {  	s0 =	sand.u32 $0x1, s1  }
0x8c: {  	s17 =	sshll.u32 s0, $0xA;
	s2 =	sadd.s32 s3, s2  }
0x8d: {  	s2 =	sadd.s32 s2, s17  }
0x8e: {  	[smem:$0x3FC6] =	sst s2  }
0x8f: {  	_ = 	snop  }
0x90: {  	s2 =	sld [smem:$0x3FC9]  }
0x91: {  	s18 =	sld [smem:$0x3FC8];
	(tm) =	ssettm $0x1  }
0x92: {  	s4 =	sld [smem:$0x3FFB];
	_ =	sdelay $0x3  }
0x93: {  	_ =	strace s4  }
0x94: {  	s4 =	sld [smem:$0x3FFC];
	_ =	sdelay $0x3  }
0x95: {  	_ =	strace s4  }
0x96: {  	s4 =	sld [smem:$0x3FFD];
	_ =	sdelay $0x3  }
0x97: {  	_ =	strace s4  }
0x98: {  	_ =	strace $0x8FFFFFFF  }
0x99: {  	s19 =	sld [smem:$0x3FDB];
	_ =	sdelay $0x1  }
0x9a: {  	s5 =	simm.s32 $_scs_section_size  }
0x9b: {  	s6 =	simm.s32 $_size__tile_overlayer_lowered;
	s7 =	simm.s32 $_tile_overlayer_lowered  }
0x9c: {  	s22 =	simm.s32 $0x1BFF;
	s21 =	sshll.u32 s7, $0x1;
	s4 =	sadd.s32 s5, s19  }
0x9d: {  	s8 =	simm.s32 $0x0;
	s20 =	sshll.u32 s6, $0x1;
	s6 =	sadd.s32 s21, s4  }
0x9e: {  	[timem:s8], [sflag:s22] =	dma.local [hbm:s6], s20  }
0x9f: {  	_ =	swait.ge [sflag:s22], s20  }
0xa0: {  	s5 =	ssub.s32 $0x0, s20;
	[sflag:s22] =	ssyncset.done $0x0  }
0xa1: {  	[sflag:s22] =	ssyncadd.s32 s5;
	_ =	sdelay $0x1  }
0xa2: {  	s23 =	simm.s32 $0x1B8B  }
0xa3: {  	_ =	swait.ge [sflag:s23], $0x1  }
0xa4: {  	[sflag:s23] =	ssyncset.done $0x0  }
0xa5: {  	s25 =	simm.s32 $0x1B8E;
	s24 =	sld [smem:$0x3FFE];
	[sflag:s23] =	ssyncadd.s32 $0xFFFFFFFF  }
0xa6: {  	s26 =	simm.s32 $execute0_lowered;
	[smem:$0x3FD2] =	sst s25  }
0xa7: {  	s6 =	sshll.u32 s26, $0x1;
	_ =	strace $0x80000046;
	[dreg:$0x1] =	wrdreg $0xFFFFFFFF  }
0xa8: {  	s28 =	simm.s32 $_size_execute0_lowered;
	s4 =	sadd.s32 s4, s6;
	[dreg:$0x0] =	wrdreg $0x0  }
0xa9: {  	s6 =	sshll.u32 s28, $0x1;
	[dreg:$0x2] =	wrdreg s4  }
0xaa: {  	[dreg:$0x3] =	wrdreg s6  }
0xab: {  	[dreg:$0x4] =	wrdreg $0xC0  }
0xac: {  	_ =	task [dreg:s8], $0x5FFFF  }
0xad: {  	[dreg:$0x1] =	wrdreg $0xFFFFFFFF  }
0xae: {  	[dreg:$0x0] =	wrdreg $0x60  }
0xaf: {  	[dreg:$0x2] =	wrdreg s2  }
0xb0: {  	[dreg:$0x3] =	wrdreg s18  }
0xb1: {  	[dreg:$0x4] =	wrdreg s24  }
0xb2: {  	[dreg:$0x5] =	wrdreg $0x9  }
0xb3: {  	_ =	task.clear_ibuf [dreg:s8], $0x6FFFF;
	_ =	strace $0x90000046  }
0xb4: {  	s29 =	simm.s32 $0x9;
	_ =	strace $0x80000048  }
0xb5: {  	_ =	swait.ge [sflag:s29], $0x1  }
0xb6: {  	[sflag:s29] =	ssyncadd.s32 $0xFFFFFFFF  }
0xb7: {  	_ =	strace $0x90000048  }
0xb8: {  	_ =	sfence  }
0xb9: {  	s30 =	sld [smem:$0x0];
	_ =	sdelay $0x2  }
0xba: {  	s31 =	sshll.u32 s1, $0xD;
	s1 =	sshrl.u32 s1, $0x2  }
0xbb: {  	s3 =	sand.u32 $0x4000, s31;
	s1 =	sadd.s32 s1, s30  }
0xbc: {  	s0 =	sor.u32 s3, s0;
	s1 =	sshll.u32 s1, $0x11  }
0xbd: {  	s0 =	sor.u32 s1, s0  }
0xbe: {  	s0 =	sadd.s32 $0x8F2B, s0  }
0xbf: {  	[sflag:s0] =	ssyncadd.remote.s32 $0x1  }
0xc0: {  	_ =	sfence.sel $0xFFFF  }
0xc1: {  	[dreg:$0x0] =	wrdreg $0xFFFFFFFF;
	(pc) =	sbr.abs _section_cstart, $3  }
0xc2: {  	[dreg:$0x1] =	wrdreg $0xFFFFFFFF  }
0xc3: {  	_ =	task.clear_ibuf [dreg:s8], $0x2FFFF;
	_ =	strace $0x9FFFFFFF  }
0xc4: {  	(tm) =	ssettm $0x7FFFFFFF  }
0xc5: {  	_ =	shalt  }
tec
execute0_lowered:
.L_overlay_start_1:
0x0: {  	(tag) =	ssettag $0x1  }
0x1: {  	s1 =	rddreg [dreg:$0x0]  }
0x2: {  	s4 =	rddreg [dreg:$0x1]  }
0x3: {  	s5 =	rddreg [dreg:$0x2]  }
0x4: {  	s0 =	rddreg [dreg:$0x3]  }
0x5: {  	s6 =	srdreg.scid;
	s2 =	stileid.u32  }
0x6: {  	s3 =	simm.s32 $0x0;
	s11 =	simm.s32 $0x0;
	s6 =	sand.u32 $0x1, s6  }
0x7: {  	s7 =	sshll.u32 s2, $0x1;
	[smem:$0x7FF] =	sst s3;
	s30 =	sshll.u32 s2, $0x7  }
0x8: {  	s8 =	ssub.s32 $0x2, s6;
	s7 =	sor.u32 s6, s7;
	_ =	strace $0x80000047  }
0x9: {  	s31 =	sshll.u32 s6, $0x6;
	s9 =	sshrl.u32 s8, $0x1;
	s10 =	sshll.u32 s7, $0x3  }
0xa: {  	s7 =	sshll.u32 s7, $0x4;
	s8 =	ssub.s32 s8, s9;
	s4 =	sadd.s32 s4, s10  }
0xb: {  	s5 =	sadd.s32 s5, s7;
	s7 =	sor.u32 s31, s30;
	s9 =	simm.s32 $0x1  }
0xc: {  	v0 =	vlaneseq.u32;
	v1 =	vimm.f32 $0.0e+00;
	s10 =	simm.s32 $0x480;
	s6 =	smax.u32 s8, $0x1;
	s8 =	simm.s32 $0x2  }
.LBB2_1:
0xd: {  	[tilespmem:s3], [sflag:$0x2] =	stream.linear.gather [hbm4b:s4+s3], $0x40, $0x38;
	[tilespmem:$0x500] =	vst v63  }
0xe: {  	_ =	swait.ge [sflag:s8], $0x40  }
0xf: {  	[sflag:s8] =	ssyncset.done $0x0  }
0x10: {  	[sflag:s8] =	ssyncadd.s32 $0xFFFFFFC0  }
0x11: {  	v2 =	vld [tilespmem:s3+$0x0];
	_ =	sdelay $0x4  }
0x12: {  	(v2sf) =	vpush v2, $0x0;
	_ =	sdelay $0xe  }
0x13: {  	s12 =	spop (v2sf)  }
0x14: {  	s13 =	sand.u32 $0xF, s12  }
0x15: {  	s14 =	sshra.s32 s12, $0x1F;
	p0 =	slt.s32 s12, $0x1;
	p1 =	sne.s32 s13, $0x0  }
0x16: {  	s26 =	sshrl.u32 s14, $0x1C;
	p0 =	por !p0, !p1  }
0x17: {  	s13 =	simm.s32 $0x1;
	s12 =	sadd.s32 s26, s12;
	p0 =	por !p0, !p0  }
0x18: {  	s12 =	sshra.s32 s12, $0x4;
	s13 =	simm.s32 @!p0 $0x0  }
0x19: {  	s28 =	sshrl.u32 s7, $0x3;
	s12 =	ssub.s32 s12, s13  }
0x1a: {  	s29 =	smul.u32 $0x3E800, s28;
	s30 =	sshll.u32 s12, $0x7  }
0x1b: {  	s14 =	sand.u32 $0xFFFFFC00, s30  }
0x1c: {  	s31 =	sand.u32 $0x380, s3;
	s12 =	sshll.u32 s12, $0x4;
	s13 =	sadd.s32 s29, s14  }
0x1d: {  	s12 =	sand.u32 $0x70, s12;
	s13 =	sor.u32 s31, s13  }
0x1e: {  	s12 =	sor.u32 s12, s13  }
0x1f: {  	s13 =	sshrl.u32 s12, $0x3  }
0x20: {  	s15 =	simm.s32 $0x1;
	s12 =	simm.s32 $0x80;
	s13 =	sadd.s32 s1, s13  }
0x21: {  	[tilespmem:s12], [sflag:$0x1] =	stream.linear.gather [hbm4b:s13+s3], $0x10, $0x38;
	[tilespmem:$0x500] =	vst v63  }
0x22: {  	s16 =	simm.s32 $0x100;
	s14 =	smov.u32 s7;
	s13 =	simm.s32 $0x80;
	v2 =	vld [tilespmem:s15+$0x0]  }
.LBB2_2:
0x23: {  	p0 =	sne.s32 s16, $0x1F80;
	_ =	sdelay $0x3  }
0x24: {  	(v2sf) =	vpush v2, $0x0;
	_ =	sdelay $0xe  }
0x25: {  	s17 =	spop (v2sf)  }
0x26: {  	s18 =	sand.u32 $0xF, s17  }
0x27: {  	s19 =	sshra.s32 s17, $0x1F;
	p1 =	slt.s32 s17, $0x1;
	p2 =	sne.s32 s18, $0x0  }
0x28: {  	s18 =	sshrl.u32 s19, $0x1C;
	p1 =	por !p1, !p2  }
0x29: {  	s17 =	sadd.s32 s18, s17;
	s18 =	simm.s32 $0x1;
	p1 =	por !p1, !p1  }
0x2a: {  	s14 =	sadd.s32 $0x1, s14;
	s17 =	sshra.s32 s17, $0x4;
	s18 =	simm.s32 @!p1 $0x0  }
0x2b: {  	s19 =	sshrl.u32 s14, $0x3;
	s17 =	ssub.s32 s17, s18  }
0x2c: {  	s18 =	smul.u32 $0x3E800, s19;
	s19 =	sshll.u32 s17, $0x7  }
0x2d: {  	s19 =	sand.u32 $0xFFFFFC00, s19  }
0x2e: {  	s13 =	sand.u32 $0x380, s13;
	s17 =	sshll.u32 s17, $0x4;
	s18 =	sadd.s32 s18, s19  }
0x2f: {  	s17 =	sand.u32 $0x70, s17;
	s18 =	sor.u32 s13, s18;
	s13 =	smov.u32 s16  }
.Ltmp0:
0x30: {  	s17 =	sor.u32 s17, s18;
	(pc) =	sbr.rel @p0 .LBB2_2-.Ltmp0, $4  }
0x31: {  	s17 =	sshrl.u32 s17, $0x3  }
0x32: {  	s15 =	sadd.s32 $0x1, s15;
	s12 =	sadd.s32 $0x10, s12;
	s17 =	sadd.s32 s1, s17  }
0x33: {  	[tilespmem:s12], [sflag:$0x1] =	stream.linear.gather [hbm4b:s17+s3], $0x10, $0x38;
	[tilespmem:$0x500] =	vst v63  }
0x34: {  	s16 =	sadd.s32 $0x80, s16;
	v2 =	vld [tilespmem:s15+$0x0]  }
0x35: {  	_ =	sdelay $0x3  }
0x36: {  	(v2sf) =	vpush v2, $0x0;
	_ =	sdelay $0xe  }
0x37: {  	s15 =	spop (v2sf)  }
0x38: {  	s16 =	sand.u32 $0xF, s15  }
0x39: {  	s17 =	sshra.s32 s15, $0x1F;
	p0 =	slt.s32 s15, $0x1;
	p1 =	sne.s32 s16, $0x0  }
0x3a: {  	s24 =	sshrl.u32 s17, $0x1C;
	p0 =	por !p0, !p1  }
0x3b: {  	s16 =	simm.s32 $0x1;
	s15 =	sadd.s32 s24, s15;
	p0 =	por !p0, !p0  }
0x3c: {  	s14 =	sadd.s32 $0x1, s14;
	s15 =	sshra.s32 s15, $0x4;
	s16 =	simm.s32 @!p0 $0x0  }
0x3d: {  	s14 =	sshrl.u32 s14, $0x3;
	s15 =	ssub.s32 s15, s16  }
0x3e: {  	s14 =	smul.u32 $0x3E800, s14;
	s16 =	sshll.u32 s15, $0x7  }
0x3f: {  	s16 =	sand.u32 $0xFFFFFC00, s16  }
0x40: {  	s13 =	sand.u32 $0x380, s13;
	s15 =	sshll.u32 s15, $0x4;
	s14 =	sadd.s32 s14, s16  }
0x41: {  	s25 =	sand.u32 $0x70, s15;
	s13 =	sor.u32 s13, s14  }
0x42: {  	s13 =	sor.u32 s25, s13  }
0x43: {  	s13 =	sshrl.u32 s13, $0x3  }
0x44: {  	s12 =	sadd.s32 $0x10, s12;
	s13 =	sadd.s32 s1, s13  }
0x45: {  	[tilespmem:s12], [sflag:$0x1] =	stream.linear.gather [hbm4b:s13+s3], $0x10, $0x38;
	[tilespmem:$0x500] =	vst v63  }
0x46: {  	_ =	swait.ge [sflag:s9], $0x400  }
0x47: {  	[sflag:s9] =	ssyncset.done $0x0  }
0x48: {  	s26 =	simm.s32 $0x0;
	[sflag:s9] =	ssyncadd.s32 $0xFFFFFC00  }
0x49: {  	v2 =	vld [tilespmem:s26+$0x0];
	_ =	sdelay $0x4  }
0x4a: {  	(v2sf) =	vpush v2, $0x0;
	_ =	sdelay $0x6  }
0x4b: {  	s28 =	simm.s32 $0x1  }
0x4c: {  	v2 =	vld [tilespmem:s28+$0x0]  }
0x4d: {  	s29 =	simm.s32 $0x2  }
0x4e: {  	v4 =	vld [tilespmem:s29+$0x0];
	_ =	sdelay $0x2  }
0x4f: {  	(v2sf) =	vpush v2, $0x0;
	_ =	sdelay $0x1  }
0x50: {  	s31 =	spop (v2sf);
	(v2sf) =	vpush v4, $0x0;
	_ =	sdelay $0x3  }
0x51: {  	s30 =	simm.s32 $0x3  }
0x52: {  	v5 =	vld [tilespmem:s30+$0x0]  }
0x53: {  	s12 =	simm.s32 $0x80  }
0x54: {  	v4 =	vld [tilespmem:s12+$0x0]  }
0x55: {  	p0 =	sgt.s32 s31, $0x0;
	s14 =	sand.u32 $0xF, s31  }
0x56: {  	v3 =	vimm.f32 $0.0e+00;
	s13 =	simm.s32 $0x10;
	v2 =	vimm.f32 $0.0e+00;
	s14 =	simm.s32 @!p0 $0xFFFFFFFF  }
.LBB2_4:
0x57: {  	s15 =	sshra.s32 s13, $0x2;
	p0 =	sne.s32 s13, $0xFC;
	s13 =	sadd.s32 $0x4, s13;
	(v2sf) =	vpush v5, $0x0;
	v6 =	vmov s14  }
.Ltmp1:
0x58: {  	v5 =	vld [tilespmem:s15+$0x0];
	vm0 =	veq.s32 v6, v0;
	(pc) =	sbr.rel @p0 .LBB2_4-.Ltmp1, $4  }
0x59: {  	s12 =	sadd.s32 $0x10, s12;
	v6 =	vnsel vm0, $0x0, v4;
	v7 =	vsel vm0, $0x3F800000, v1  }
0x5a: {  	v4 =	vld [tilespmem:s12+$0x0];
	s14 =	spop (v2sf);
	v3 =	vadd.f32 v6, v3;
	v2 =	vadd.f32 v7, v2  }
0x5b: {  	p1 =	sgt.s32 s14, $0x0;
	s14 =	sand.u32 $0xF, s14  }
0x5c: {  	s14 =	simm.s32 @!p1 $0xFFFFFFFF  }
0x5d: {  	(v2sf) =	vpush v5, $0x0;
	_ =	sdelay $0x9  }
0x5e: {  	s12 =	sadd.s32 $0x10, s12  }
0x5f: {  	s13 =	spop (v2sf);
	v53 =	vld [tilespmem:s12+$0x0]  }
0x60: {  	v6 =	vmov s14;
	p0 =	sgt.s32 s13, $0x0;
	s13 =	sand.u32 $0xF, s13;
	s12 =	sadd.s32 $0x10, s12  }
0x61: {  	vm0 =	veq.s32 v6, v0;
	s13 =	simm.s32 @!p0 $0xFFFFFFFF;
	v54 =	vld [tilespmem:s12+$0x0];
	s30 =	spop (v2sf)  }
0x62: {  	v4 =	vnsel vm0, $0x0, v4;
	s12 =	sadd.s32 $0x10, s12;
	v7 =	vmov s13;
	p0 =	sgt.s32 s30, $0x0;
	s13 =	sand.u32 $0xF, s30  }
0x63: {  	v55 =	vsel vm0, $0x3F800000, v1;
	v3 =	vadd.f32 v4, v3;
	v56 =	vld [tilespmem:s12+$0x0];
	vm13 =	veq.s32 v7, v0;
	s13 =	simm.s32 @!p0 $0xFFFFFFFF;
	s31 =	spop (v2sf)  }
0x64: {  	v2 =	vadd.f32 v55, v2;
	v57 =	vnsel vm13, $0x0, v53;
	v58 =	vmov s13;
	p0 =	sgt.s32 s31, $0x0;
	s12 =	sand.u32 $0xF, s31  }
0x65: {  	v59 =	vsel vm13, $0x3F800000, v1;
	v3 =	vadd.f32 v57, v3;
	vm14 =	veq.s32 v58, v0;
	s12 =	simm.s32 @!p0 $0xFFFFFFFF  }
0x66: {  	v2 =	vadd.f32 v59, v2;
	v60 =	vnsel vm14, $0x0, v54;
	v61 =	vmov s12  }
0x67: {  	v62 =	vsel vm14, $0x3F800000, v1;
	v3 =	vadd.f32 v60, v3;
	vm15 =	veq.s32 v61, v0  }
0x68: {  	v2 =	vadd.f32 v62, v2;
	v63 =	vnsel vm15, $0x0, v56  }
0x69: {  	v5 =	vsel vm15, $0x3F800000, v1;
	v3 =	vadd.f32 v63, v3  }
0x6a: {  	s11 =	sadd.s32 $0x1, s11;
	v2 =	vadd.f32 v5, v2  }
0x6b: {  	p0 =	sne.s32 s11, s6;
	[tilespmem:$0x480] =	vst v3  }
.Ltmp2:
0x6c: {  	[tilespmem:$0x490] =	vst v2;
	(pc) =	sbr.rel @p0 .LBB2_1-.Ltmp2, $4  }
0x6d: {  	[hbm4b:s5+s3] =	stream.linear.scatter [tilespmem:s10], [sflag:$0x2], $0x80, $0x38;
	[tilespmem:$0x500] =	vst v63  }
0x6e: {  	_ =	swait.ge [sflag:s8], $0x80  }
0x6f: {  	[sflag:s8] =	ssyncset.done $0x0  }
0x70: {  	[sflag:s8] =	ssyncadd.s32 $0xFFFFFF80  }
0x71: {  	_ =	sfence.sel $0x180000  }
0x72: {  	[bflag:$0x0] =	sbarrier.arrive $0xFFFF  }
0x73: {  	p0 =	sne.s32 s2, $0x0;
	_ =	strace $0x90000047  }
0x74: {  	s0 =	sadd.s32 @!p0 $0x100000, s0;
	[bflag:$0x2] =	sbarrier.arrive $0xFFFF  }
0x75: {  	[sflag:s0] =	ssyncadd.tile.s32 @!p0 $0x1;
	_ =	shalt  }
.Lfunc_end2:
_tile_overlayer_lowered:
.L_overlay_start_2:
0x76: {  	(tag) =	ssettag $0x2  }
0x77: {  	s0 =	rddreg [dreg:$0x0];
	s2 =	stileid.u32  }
0x78: {  	s1 =	rddreg [dreg:$0x1];
	p0 =	sne.s32 s2, $0x0  }
0x79: {  	s3 =	rddreg [dreg:$0x2];
	[bflag:$0x3] =	sbarrier.arrive $0xFFFF;
	s2 =	simm.s32 @!p0 $0x1C02  }
0x7a: {  	[timem:s3], [sflag:s2] =	dma.local @!p0 [hbm:s0], s1  }
0x7b: {  	s0 =	simm.s32 @!p0 $0x2  }
0x7c: {  	_ =	swait.ge @!p0 [sflag:s0], s1  }
0x7d: {  	s1 =	ssub.s32 @!p0 $0x0, s1;
	[sflag:s0] =	ssyncset.done @!p0 $0x0  }
0x7e: {  	[sflag:s0] =	ssyncadd.s32 @!p0 s1  }
0x7f: {  	[bflag:$0x3] =	sbarrier.arrive $0xFFFF  }
0x80: {  	_ =	shalt  }

</sc_bundles>
